<compile_context>
chip_gen: v7x
topology: tpu7x:2x2x1
jax: 0.10.2.dev20260603
libtpu: 0.0.44.dev20260713+nightly
codegen_flags: <defaults>
</compile_context>

<pallas_src>
import dataclasses
import functools

import jax
import jax.numpy as jnp
from jax import lax
from jax.experimental import pallas as pl
from jax.experimental.pallas import tpu as pltpu
from jax.experimental.pallas import tpu_sc as plsc

N = 2000
F = 128
E = 64000
B = 8
T = 12
S = B * T

NC = 2
NS = 16
L = 16
NW = NC * NS
ROWS_PER_W = 63
EB = 800
NEB = E // EB


def _build_adj_sc(src, dst):
    mesh = plsc.VectorSubcoreMesh(core_axis_name="c", subcore_axis_name="s")
    cp = pltpu.CompilerParams()
    if "needs_layout_passes" in pltpu.CompilerParams.__dataclass_fields__:
        cp = dataclasses.replace(cp, needs_layout_passes=False)

    @functools.partial(
        pl.kernel,
        out_type=jax.ShapeDtypeStruct((NW * ROWS_PER_W * N,), jnp.float32),
        mesh=mesh,
        compiler_params=cp,
        scratch_types=[
            pltpu.VMEM((ROWS_PER_W * N,), jnp.float32),
            pltpu.VMEM((EB,), jnp.int32),
            pltpu.VMEM((EB,), jnp.int32),
            pltpu.VMEM((EB,), jnp.int32),
            pltpu.VMEM((EB,), jnp.int32),
            pltpu.SemaphoreType.DMA,
            pltpu.SemaphoreType.DMA,
            pltpu.SemaphoreType.DMA,
        ],
    )
    def k(src_hbm, dst_hbm, a_hbm, a_loc, src_v0, src_v1, dst_v0, dst_v1,
          sem, sem0, sem1):
        cid = lax.axis_index("c")
        sid = lax.axis_index("s")
        wid = sid * NC + cid
        base = wid * ROWS_PER_W

        zeros16 = jnp.zeros((L,), jnp.float32)
        ones16 = jnp.ones((L,), jnp.float32)
        lane = lax.iota(jnp.int32, L)

        @pl.loop(0, ROWS_PER_W * N, step=L)
        def _(cc):
            a_loc[pl.ds(cc, L)] = zeros16

        for kk in range((ROWS_PER_W + L - 1) // L):
            rows = lane + kk * L
            gcol = rows + base
            m = (rows < ROWS_PER_W) & (gcol < N)
            rows_c = jnp.minimum(rows, ROWS_PER_W - 1)
            flat = rows_c * N + jnp.minimum(gcol, N - 1)
            plsc.addupdate_scatter(a_loc, [flat], ones16, mask=m)

        sems = (sem0, sem1)
        srcs = (src_v0, src_v1)
        dsts = (dst_v0, dst_v1)

        def start(blk, buf):
            pltpu.async_copy(src_hbm.at[pl.ds(blk * EB, EB)], srcs[buf],
                             sems[buf])
            pltpu.async_copy(dst_hbm.at[pl.ds(blk * EB, EB)], dsts[buf],
                             sems[buf])

        def wait(blk, buf):
            pltpu.make_async_copy(src_hbm.at[pl.ds(blk * EB, EB)],
                                  srcs[buf], sems[buf]).wait()
            pltpu.make_async_copy(dst_hbm.at[pl.ds(blk * EB, EB)],
                                  dsts[buf], sems[buf]).wait()

        def process(buf):
            @pl.loop(0, EB, step=L)
            def _(e0):
                s16 = srcs[buf][pl.ds(e0, L)]
                d16 = dsts[buf][pl.ds(e0, L)]
                row = d16 - base
                inr = (row >= 0) & (row < ROWS_PER_W)
                rowc = jnp.minimum(jnp.maximum(row, 0), ROWS_PER_W - 1)
                flat = rowc * N + s16
                plsc.addupdate_scatter(a_loc, [flat], ones16, mask=inr)

        start(0, 0)

        @pl.loop(0, NEB, step=2)
        def _(blk):
            start(blk + 1, 1)
            wait(blk, 0)
            process(0)

            @pl.when(blk + 2 < NEB)
            def _():
                start(blk + 2, 0)

            wait(blk + 1, 1)
            process(1)

        pltpu.async_copy(
            a_loc, a_hbm.at[pl.ds(wid * (ROWS_PER_W * N), ROWS_PER_W * N)], sem
        ).wait()

    return k(src, dst)


SB = 4


def _tc_body(a_ref, x_ref, w_ref, b_ref, o_ref, as_ref):
    @pl.when(pl.program_id(0) == 0)
    def _():
        a = a_ref[...].astype(jnp.float32)
        dis = lax.rsqrt(jnp.sum(a, axis=1, keepdims=True))
        as_ref[...] = (a * dis * dis.reshape(1, N)).astype(jnp.bfloat16)

    xw = jnp.dot(
        x_ref[...].reshape(SB * N, F),
        w_ref[...],
        preferred_element_type=jnp.float32,
    )
    z4 = jnp.concatenate(
        [xw[i * N:(i + 1) * N].astype(jnp.bfloat16) for i in range(SB)],
        axis=1,
    )
    y4 = jnp.dot(as_ref[...], z4, preferred_element_type=jnp.float32)
    for i in range(SB):
        o_ref[i] = y4[:, i * F:(i + 1) * F] + b_ref[...]


def _gcn_tc(a_bf, x96, w, b2d):
    return pl.pallas_call(
        _tc_body,
        grid=(S // SB,),
        in_specs=[
            pl.BlockSpec((N, N), lambda s: (0, 0)),
            pl.BlockSpec((SB, N, F), lambda s: (s, 0, 0)),
            pl.BlockSpec((F, F), lambda s: (0, 0)),
            pl.BlockSpec((1, F), lambda s: (0, 0)),
        ],
        out_specs=pl.BlockSpec((SB, N, F), lambda s: (s, 0, 0)),
        out_shape=jax.ShapeDtypeStruct((S, N, F), jnp.float32),
        scratch_shapes=[pltpu.VMEM((N, N), jnp.bfloat16)],
    )(a_bf, x96, w, b2d)


def kernel(x, edge_index, W, b):
    ei = edge_index.astype(jnp.int32)
    a_pad = _build_adj_sc(ei[0], ei[1])
    a_bf = a_pad.reshape(NW * ROWS_PER_W, N)[:N].astype(jnp.bfloat16)
    x96 = x.reshape(S, N, F).astype(jnp.bfloat16)
    y = _gcn_tc(a_bf, x96, W.astype(jnp.bfloat16), b.reshape(1, F))
    return y.reshape(B, T, N, F)

# --- scband reference (transcript-rebuilt; emitter-appended) ---
"""Pipeline reference for scband-spatial-module-8615704396047 (READ-ONLY COPY).

The authoritative reference and input builder live on the scoring server;
editing this copy changes nothing except your own understanding.
"""

import jax, jax.numpy as jnp
import numpy as np

IN_SEQ_LEN = 12
NUM_NODE = 2000
HIDDEN = 128
NUM_EDGES = 64000
BATCH = 8


def setup_inputs(seed: int = 0) -> dict:
    key = jax.random.key(seed)
    k1, k2, k3 = jax.random.split(key, 3)
    x = jax.random.normal(k1, (BATCH, IN_SEQ_LEN, NUM_NODE, HIDDEN), dtype=jnp.float32)
    edge_index = jax.random.randint(k2, (2, NUM_EDGES), 0, NUM_NODE, dtype=jnp.int64)
    # glorot-style init for GCN weight, zero bias (PyG GCNConv default)
    W = jax.random.normal(k3, (HIDDEN, HIDDEN), dtype=jnp.float32) * (1.0 / np.sqrt(HIDDEN))
    b = jnp.zeros((HIDDEN,), dtype=jnp.float32)
    return {"x": x, "edge_index": edge_index, "W": W, "b": b}


def _gcn_conv(x_t, edge_index, W, b):
    # x_t: [B, N, F]. Faithful GCNConv: add self-loops, symmetric norm, linear, scatter-add, bias.
    N = x_t.shape[1]
    loop = jnp.arange(N, dtype=edge_index.dtype)
    src = jnp.concatenate([edge_index[0], loop])
    dst = jnp.concatenate([edge_index[1], loop])
    deg = jnp.zeros((N,), dtype=x_t.dtype).at[dst].add(1.0)
    deg_inv_sqrt = jnp.where(deg > 0, 1.0 / jnp.sqrt(deg), 0.0)
    norm = deg_inv_sqrt[src] * deg_inv_sqrt[dst]  # [E+N]
    xw = jnp.einsum('bnf,fg->bng', x_t, W)        # linear transform first
    msg = jnp.take(xw, src, axis=1) * norm[None, :, None]  # gather + scale
    out = jnp.zeros_like(xw).at[:, dst, :].add(msg)        # scatter-add to dst
    return out + b


def reference(x, edge_index, W, b):
    # x: [B, T, N, F] -> loop over time like the torch module, concat on dim=1
    result = []
    for t in range(IN_SEQ_LEN):
        gcn_out = _gcn_conv(x[:, t, :, :], edge_index, W, b)
        result.append(gcn_out[:, None, :, :])
    return jnp.concatenate(result, axis=1)

if __name__ == "__main__":
    import jax
    _d = setup_inputs()
    print(jax.jit(kernel)(*tuple(_d.values())))

</pallas_src>

<mosaic_0001>
#map = affine_map<(d0, d1) -> (0)>
module attributes {stable_mosaic.version = 14 : i64} {
  func.func @k(%arg0: i32, %arg1: i32, %arg2: memref<64000xi32, #tpu.memory_space<hbm>>, %arg3: memref<64000xi32, #tpu.memory_space<hbm>>, %arg4: memref<4032000xf32, #tpu.memory_space<hbm>>, %arg5: memref<126000xf32, #tpu.memory_space<vmem>>, %arg6: memref<800xi32, #tpu.memory_space<vmem>>, %arg7: memref<800xi32, #tpu.memory_space<vmem>>, %arg8: memref<800xi32, #tpu.memory_space<vmem>>, %arg9: memref<800xi32, #tpu.memory_space<vmem>>, %arg10: memref<!tpu.dma_semaphore, #tpu.memory_space<semaphore_mem>>, %arg11: memref<!tpu.dma_semaphore, #tpu.memory_space<semaphore_mem>>, %arg12: memref<!tpu.dma_semaphore, #tpu.memory_space<semaphore_mem>>) attributes {dimension_semantics = [#tpu.dimension_semantics<core_parallel>, #tpu.dimension_semantics<subcore_parallel>], iteration_bounds = array<i64: 2, 16>, scalar_prefetch = 0 : i64, scratch_operands = 8 : i64, tpu.core_type = #tpu.core_type<sc_vector_subcore>, window_params = [{transform_indices = #map}, {transform_indices = #map}, {transform_indices = #map}]} {
    %mul3A = arith.constant 2 : i32
    %mul3A_0 = arith.muli %arg1, %mul3A : i32
    %add3A = arith.addi %mul3A_0, %arg0 : i32
    %mul3A_1 = arith.constant 63 : i32
    %mul3A_2 = arith.muli %add3A, %mul3A_1 : i32
    %broadcast_in_dim3A = arith.constant 0.000000e+00 : f32
    %broadcast_in_dim3A_3 = vector.broadcast %broadcast_in_dim3A : f32 to vector<16xf32>
    %broadcast_in_dim3A_4 = arith.constant 1.000000e+00 : f32
    %broadcast_in_dim3A_5 = vector.broadcast %broadcast_in_dim3A_4 : f32 to vector<16xf32>
    %iota3A = tpu.iota {dimensions = array<i32: 0>} : vector<16xi32>
    %scan3A = arith.constant 0 : i32
    %scan3A_6 = arith.constant 7875 : i32
    %scan3A_7 = arith.addi %scan3A, %scan3A_6 : i32
    %scan3A_8 = arith.constant 1 : i32
    scf.for %scan3A_112 = %scan3A to %scan3A_7 step %scan3A_8  : i32 {
      %mul3A_113 = arith.constant 16 : i32
      %mul3A_114 = arith.muli %scan3A_112, %mul3A_113 : i32
      %add3A_115 = arith.constant 0 : i32
      %add3A_116 = arith.addi %add3A_115, %mul3A_114 : i32
      %swap3A = arith.index_cast %add3A_116 : i32 to index
      %swap3A_117 = tpu.vector_load %arg5[%swap3A] {strides = array<i32>} : memref<126000xf32, #tpu.memory_space<vmem>>, vector<16xf32>,
      tpu.vector_store %arg5[%swap3A], %broadcast_in_dim3A_3 {strides = array<i32>} : memref<126000xf32, #tpu.memory_space<vmem>>, vector<16xf32>,
    }
    %scan3A_9 = arith.constant 7875 : i32
    %add3A_10 = arith.constant 0 : i32
    %add3A_11 = vector.broadcast %add3A_10 : i32 to vector<16xi32>
    %add3A_12 = arith.addi %iota3A, %add3A_11 : vector<16xi32>
    %add3A_13 = vector.broadcast %mul3A_2 : i32 to vector<16xi32>
    %add3A_14 = arith.addi %add3A_12, %add3A_13 : vector<16xi32>
    %lt3A = arith.constant 63 : i32
    %lt3A_15 = vector.broadcast %lt3A : i32 to vector<16xi32>
    %lt3A_16 = arith.cmpi slt, %add3A_12, %lt3A_15 : vector<16xi32>
    %lt3A_17 = arith.constant 2000 : i32
    %lt3A_18 = vector.broadcast %lt3A_17 : i32 to vector<16xi32>
    %lt3A_19 = arith.cmpi slt, %add3A_14, %lt3A_18 : vector<16xi32>
    %and3A = arith.andi %lt3A_16, %lt3A_19 : vector<16xi1>
    %min3A = arith.constant 62 : i32
    %min3A_20 = vector.broadcast %min3A : i32 to vector<16xi32>
    %min3A_21 = arith.minsi %add3A_12, %min3A_20 : vector<16xi32>
    %mul3A_22 = arith.constant 2000 : i32
    %mul3A_23 = vector.broadcast %mul3A_22 : i32 to vector<16xi32>
    %mul3A_24 = arith.muli %min3A_21, %mul3A_23 : vector<16xi32>
    %min3A_25 = arith.constant 1999 : i32
    %min3A_26 = vector.broadcast %min3A_25 : i32 to vector<16xi32>
    %min3A_27 = arith.minsi %add3A_14, %min3A_26 : vector<16xi32>
    %add3A_28 = arith.addi %mul3A_24, %min3A_27 : vector<16xi32>
    tpu.vector_store_idx %arg5[%add3A_28], %broadcast_in_dim3A_5 masked %and3A {add = true} : memref<126000xf32, #tpu.memory_space<vmem>>[vector<16xi32>], vector<16xf32>, vector<16xi1>
    %add3A_29 = arith.constant 16 : i32
    %add3A_30 = vector.broadcast %add3A_29 : i32 to vector<16xi32>
    %add3A_31 = arith.addi %iota3A, %add3A_30 : vector<16xi32>
    %add3A_32 = vector.broadcast %mul3A_2 : i32 to vector<16xi32>
    %add3A_33 = arith.addi %add3A_31, %add3A_32 : vector<16xi32>
    %lt3A_34 = arith.constant 63 : i32
    %lt3A_35 = vector.broadcast %lt3A_34 : i32 to vector<16xi32>
    %lt3A_36 = arith.cmpi slt, %add3A_31, %lt3A_35 : vector<16xi32>
    %lt3A_37 = arith.constant 2000 : i32
    %lt3A_38 = vector.broadcast %lt3A_37 : i32 to vector<16xi32>
    %lt3A_39 = arith.cmpi slt, %add3A_33, %lt3A_38 : vector<16xi32>
    %and3A_40 = arith.andi %lt3A_36, %lt3A_39 : vector<16xi1>
    %min3A_41 = arith.constant 62 : i32
    %min3A_42 = vector.broadcast %min3A_41 : i32 to vector<16xi32>
    %min3A_43 = arith.minsi %add3A_31, %min3A_42 : vector<16xi32>
    %mul3A_44 = arith.constant 2000 : i32
    %mul3A_45 = vector.broadcast %mul3A_44 : i32 to vector<16xi32>
    %mul3A_46 = arith.muli %min3A_43, %mul3A_45 : vector<16xi32>
    %min3A_47 = arith.constant 1999 : i32
    %min3A_48 = vector.broadcast %min3A_47 : i32 to vector<16xi32>
    %min3A_49 = arith.minsi %add3A_33, %min3A_48 : vector<16xi32>
    %add3A_50 = arith.addi %mul3A_46, %min3A_49 : vector<16xi32>
    tpu.vector_store_idx %arg5[%add3A_50], %broadcast_in_dim3A_5 masked %and3A_40 {add = true} : memref<126000xf32, #tpu.memory_space<vmem>>[vector<16xi32>], vector<16xf32>, vector<16xi1>
    %add3A_51 = arith.constant 32 : i32
    %add3A_52 = vector.broadcast %add3A_51 : i32 to vector<16xi32>
    %add3A_53 = arith.addi %iota3A, %add3A_52 : vector<16xi32>
    %add3A_54 = vector.broadcast %mul3A_2 : i32 to vector<16xi32>
    %add3A_55 = arith.addi %add3A_53, %add3A_54 : vector<16xi32>
    %lt3A_56 = arith.constant 63 : i32
    %lt3A_57 = vector.broadcast %lt3A_56 : i32 to vector<16xi32>
    %lt3A_58 = arith.cmpi slt, %add3A_53, %lt3A_57 : vector<16xi32>
    %lt3A_59 = arith.constant 2000 : i32
    %lt3A_60 = vector.broadcast %lt3A_59 : i32 to vector<16xi32>
    %lt3A_61 = arith.cmpi slt, %add3A_55, %lt3A_60 : vector<16xi32>
    %and3A_62 = arith.andi %lt3A_58, %lt3A_61 : vector<16xi1>
    %min3A_63 = arith.constant 62 : i32
    %min3A_64 = vector.broadcast %min3A_63 : i32 to vector<16xi32>
    %min3A_65 = arith.minsi %add3A_53, %min3A_64 : vector<16xi32>
    %mul3A_66 = arith.constant 2000 : i32
    %mul3A_67 = vector.broadcast %mul3A_66 : i32 to vector<16xi32>
    %mul3A_68 = arith.muli %min3A_65, %mul3A_67 : vector<16xi32>
    %min3A_69 = arith.constant 1999 : i32
    %min3A_70 = vector.broadcast %min3A_69 : i32 to vector<16xi32>
    %min3A_71 = arith.minsi %add3A_55, %min3A_70 : vector<16xi32>
    %add3A_72 = arith.addi %mul3A_68, %min3A_71 : vector<16xi32>
    tpu.vector_store_idx %arg5[%add3A_72], %broadcast_in_dim3A_5 masked %and3A_62 {add = true} : memref<126000xf32, #tpu.memory_space<vmem>>[vector<16xi32>], vector<16xf32>, vector<16xi1>
    %add3A_73 = arith.constant 48 : i32
    %add3A_74 = vector.broadcast %add3A_73 : i32 to vector<16xi32>
    %add3A_75 = arith.addi %iota3A, %add3A_74 : vector<16xi32>
    %add3A_76 = vector.broadcast %mul3A_2 : i32 to vector<16xi32>
    %add3A_77 = arith.addi %add3A_75, %add3A_76 : vector<16xi32>
    %lt3A_78 = arith.constant 63 : i32
    %lt3A_79 = vector.broadcast %lt3A_78 : i32 to vector<16xi32>
    %lt3A_80 = arith.cmpi slt, %add3A_75, %lt3A_79 : vector<16xi32>
    %lt3A_81 = arith.constant 2000 : i32
    %lt3A_82 = vector.broadcast %lt3A_81 : i32 to vector<16xi32>
    %lt3A_83 = arith.cmpi slt, %add3A_77, %lt3A_82 : vector<16xi32>
    %and3A_84 = arith.andi %lt3A_80, %lt3A_83 : vector<16xi1>
    %min3A_85 = arith.constant 62 : i32
    %min3A_86 = vector.broadcast %min3A_85 : i32 to vector<16xi32>
    %min3A_87 = arith.minsi %add3A_75, %min3A_86 : vector<16xi32>
    %mul3A_88 = arith.constant 2000 : i32
    %mul3A_89 = vector.broadcast %mul3A_88 : i32 to vector<16xi32>
    %mul3A_90 = arith.muli %min3A_87, %mul3A_89 : vector<16xi32>
    %min3A_91 = arith.constant 1999 : i32
    %min3A_92 = vector.broadcast %min3A_91 : i32 to vector<16xi32>
    %min3A_93 = arith.minsi %add3A_77, %min3A_92 : vector<16xi32>
    %add3A_94 = arith.addi %mul3A_90, %min3A_93 : vector<16xi32>
    tpu.vector_store_idx %arg5[%add3A_94], %broadcast_in_dim3A_5 masked %and3A_84 {add = true} : memref<126000xf32, #tpu.memory_space<vmem>>[vector<16xi32>], vector<16xf32>, vector<16xi1>
    %dma_start3A = arith.constant 0 : i32
    %dma_start3A_95 = tpu.memref_slice %arg2[%dma_start3A] : memref<64000xi32, #tpu.memory_space<hbm>> -> memref<800xi32, #tpu.memory_space<hbm>>
    %dma_start3A_96 = arith.constant 0 : i32
    %dma_start3A_97 = tpu.memref_slice %arg2[%dma_start3A_96] : memref<64000xi32, #tpu.memory_space<hbm>> -> memref<800xi32, #tpu.memory_space<hbm>>
    tpu.enqueue_dma source(%dma_start3A_97 : memref<800xi32, #tpu.memory_space<hbm>>) target(%arg6 : memref<800xi32, #tpu.memory_space<vmem>>) target_semaphore(%arg11 : memref<!tpu.dma_semaphore, #tpu.memory_space<semaphore_mem>>)
    %dma_start3A_98 = arith.constant 0 : i32
    %dma_start3A_99 = tpu.memref_slice %arg3[%dma_start3A_98] : memref<64000xi32, #tpu.memory_space<hbm>> -> memref<800xi32, #tpu.memory_space<hbm>>
    %dma_start3A_100 = arith.constant 0 : i32
    %dma_start3A_101 = tpu.memref_slice %arg3[%dma_start3A_100] : memref<64000xi32, #tpu.memory_space<hbm>> -> memref<800xi32, #tpu.memory_space<hbm>>
    tpu.enqueue_dma source(%dma_start3A_101 : memref<800xi32, #tpu.memory_space<hbm>>) target(%arg8 : memref<800xi32, #tpu.memory_space<vmem>>) target_semaphore(%arg11 : memref<!tpu.dma_semaphore, #tpu.memory_space<semaphore_mem>>)
    %scan3A_102 = arith.constant 0 : i32
    %scan3A_103 = arith.constant 40 : i32
    %scan3A_104 = arith.addi %scan3A_102, %scan3A_103 : i32
    %scan3A_105 = arith.constant 1 : i32
    scf.for %scan3A_112 = %scan3A_102 to %scan3A_104 step %scan3A_105  : i32 {
      %mul3A_113 = arith.constant 2 : i32
      %mul3A_114 = arith.muli %scan3A_112, %mul3A_113 : i32
      %add3A_115 = arith.constant 0 : i32
      %add3A_116 = arith.addi %add3A_115, %mul3A_114 : i32
      %add3A_117 = arith.constant 1 : i32
      %add3A_118 = arith.addi %add3A_116, %add3A_117 : i32
      %mul3A_119 = arith.constant 800 : i32
      %mul3A_120 = arith.muli %add3A_118, %mul3A_119 : i32
      %dma_start3A_121 = tpu.memref_slice %arg2[%mul3A_120] : memref<64000xi32, #tpu.memory_space<hbm>> -> memref<800xi32, #tpu.memory_space<hbm>>
      %dma_start3A_122 = tpu.memref_slice %arg2[%mul3A_120] : memref<64000xi32, #tpu.memory_space<hbm>> -> memref<800xi32, #tpu.memory_space<hbm>>
      tpu.enqueue_dma source(%dma_start3A_122 : memref<800xi32, #tpu.memory_space<hbm>>) target(%arg7 : memref<800xi32, #tpu.memory_space<vmem>>) target_semaphore(%arg12 : memref<!tpu.dma_semaphore, #tpu.memory_space<semaphore_mem>>)
      %mul3A_123 = arith.constant 800 : i32
      %mul3A_124 = arith.muli %add3A_118, %mul3A_123 : i32
      %dma_start3A_125 = tpu.memref_slice %arg3[%mul3A_124] : memref<64000xi32, #tpu.memory_space<hbm>> -> memref<800xi32, #tpu.memory_space<hbm>>
      %dma_start3A_126 = tpu.memref_slice %arg3[%mul3A_124] : memref<64000xi32, #tpu.memory_space<hbm>> -> memref<800xi32, #tpu.memory_space<hbm>>
      tpu.enqueue_dma source(%dma_start3A_126 : memref<800xi32, #tpu.memory_space<hbm>>) target(%arg9 : memref<800xi32, #tpu.memory_space<vmem>>) target_semaphore(%arg12 : memref<!tpu.dma_semaphore, #tpu.memory_space<semaphore_mem>>)
      %mul3A_127 = arith.constant 800 : i32
      %mul3A_128 = arith.muli %add3A_116, %mul3A_127 : i32
      %dma_wait3A_129 = tpu.memref_slice %arg2[%mul3A_128] : memref<64000xi32, #tpu.memory_space<hbm>> -> memref<800xi32, #tpu.memory_space<hbm>>
      %dma_wait3A_130 = tpu.memref_slice %arg2[%mul3A_128] : memref<64000xi32, #tpu.memory_space<hbm>> -> memref<800xi32, #tpu.memory_space<hbm>>
      tpu.wait_dma2 semaphore(%arg11 : memref<!tpu.dma_semaphore, #tpu.memory_space<semaphore_mem>>) src(%dma_wait3A_130 : memref<800xi32, #tpu.memory_space<hbm>>) dst(%arg6 : memref<800xi32, #tpu.memory_space<vmem>>)
      %mul3A_131 = arith.constant 800 : i32
      %mul3A_132 = arith.muli %add3A_116, %mul3A_131 : i32
      %dma_wait3A_133 = tpu.memref_slice %arg3[%mul3A_132] : memref<64000xi32, #tpu.memory_space<hbm>> -> memref<800xi32, #tpu.memory_space<hbm>>
      %dma_wait3A_134 = tpu.memref_slice %arg3[%mul3A_132] : memref<64000xi32, #tpu.memory_space<hbm>> -> memref<800xi32, #tpu.memory_space<hbm>>
      tpu.wait_dma2 semaphore(%arg11 : memref<!tpu.dma_semaphore, #tpu.memory_space<semaphore_mem>>) src(%dma_wait3A_134 : memref<800xi32, #tpu.memory_space<hbm>>) dst(%arg8 : memref<800xi32, #tpu.memory_space<vmem>>)
      %scan3A_135 = arith.constant 0 : i32
      %scan3A_136 = arith.constant 50 : i32
      %scan3A_137 = arith.addi %scan3A_135, %scan3A_136 : i32
      %scan3A_138 = arith.constant 1 : i32
      scf.for %scan3A_160 = %scan3A_135 to %scan3A_137 step %scan3A_138  : i32 {
        %mul3A_161 = arith.constant 16 : i32
        %mul3A_162 = arith.muli %scan3A_160, %mul3A_161 : i32
        %add3A_163 = arith.constant 0 : i32
        %add3A_164 = arith.addi %add3A_163, %mul3A_162 : i32
        %get3A = arith.index_cast %add3A_164 : i32 to index
        %get3A_165 = tpu.vector_load %arg6[%get3A] {strides = array<i32>} : memref<800xi32, #tpu.memory_space<vmem>>, vector<16xi32>,
        %get3A_166 = arith.index_cast %add3A_164 : i32 to index
        %get3A_167 = tpu.vector_load %arg8[%get3A_166] {strides = array<i32>} : memref<800xi32, #tpu.memory_space<vmem>>, vector<16xi32>,
        %sub3A = vector.broadcast %mul3A_2 : i32 to vector<16xi32>
        %sub3A_168 = arith.subi %get3A_167, %sub3A : vector<16xi32>
        %ge3A = arith.constant 0 : i32
        %ge3A_169 = vector.broadcast %ge3A : i32 to vector<16xi32>
        %ge3A_170 = arith.cmpi sge, %sub3A_168, %ge3A_169 : vector<16xi32>
        %lt3A_171 = arith.constant 63 : i32
        %lt3A_172 = vector.broadcast %lt3A_171 : i32 to vector<16xi32>
        %lt3A_173 = arith.cmpi slt, %sub3A_168, %lt3A_172 : vector<16xi32>
        %and3A_174 = arith.andi %ge3A_170, %lt3A_173 : vector<16xi1>
        %max3A = arith.constant 0 : i32
        %max3A_175 = vector.broadcast %max3A : i32 to vector<16xi32>
        %max3A_176 = arith.maxsi %sub3A_168, %max3A_175 : vector<16xi32>
        %min3A_177 = arith.constant 62 : i32
        %min3A_178 = vector.broadcast %min3A_177 : i32 to vector<16xi32>
        %min3A_179 = arith.minsi %max3A_176, %min3A_178 : vector<16xi32>
        %mul3A_180 = arith.constant 2000 : i32
        %mul3A_181 = vector.broadcast %mul3A_180 : i32 to vector<16xi32>
        %mul3A_182 = arith.muli %min3A_179, %mul3A_181 : vector<16xi32>
        %add3A_183 = arith.addi %mul3A_182, %get3A_165 : vector<16xi32>
        tpu.vector_store_idx %arg5[%add3A_183], %broadcast_in_dim3A_5 masked %and3A_174 {add = true} : memref<126000xf32, #tpu.memory_space<vmem>>[vector<16xi32>], vector<16xf32>, vector<16xi1>
      }
      %scan3A_139 = arith.constant 50 : i32
      %add3A_140 = arith.constant 2 : i32
      %add3A_141 = arith.addi %add3A_116, %add3A_140 : i32
      %lt3A_142 = arith.constant 80 : i32
      %lt3A_143 = arith.cmpi slt, %add3A_141, %lt3A_142 : i32
      %convert_element_type3A = arith.extui %lt3A_143 : i1 to i32
      %cond3A = arith.constant 0 : i32
      %cond3A_144 = arith.cmpi ne, %convert_element_type3A, %cond3A : i32
      scf.if %cond3A_144 {
        %add3A_160 = arith.constant 2 : i32
        %add3A_161 = arith.addi %add3A_116, %add3A_160 : i32
        %mul3A_162 = arith.constant 800 : i32
        %mul3A_163 = arith.muli %add3A_161, %mul3A_162 : i32
        %dma_start3A_164 = tpu.memref_slice %arg2[%mul3A_163] : memref<64000xi32, #tpu.memory_space<hbm>> -> memref<800xi32, #tpu.memory_space<hbm>>
        %dma_start3A_165 = tpu.memref_slice %arg2[%mul3A_163] : memref<64000xi32, #tpu.memory_space<hbm>> -> memref<800xi32, #tpu.memory_space<hbm>>
        tpu.enqueue_dma source(%dma_start3A_165 : memref<800xi32, #tpu.memory_space<hbm>>) target(%arg6 : memref<800xi32, #tpu.memory_space<vmem>>) target_semaphore(%arg11 : memref<!tpu.dma_semaphore, #tpu.memory_space<semaphore_mem>>)
        %mul3A_166 = arith.constant 800 : i32
        %mul3A_167 = arith.muli %add3A_161, %mul3A_166 : i32
        %dma_start3A_168 = tpu.memref_slice %arg3[%mul3A_167] : memref<64000xi32, #tpu.memory_space<hbm>> -> memref<800xi32, #tpu.memory_space<hbm>>
        %dma_start3A_169 = tpu.memref_slice %arg3[%mul3A_167] : memref<64000xi32, #tpu.memory_space<hbm>> -> memref<800xi32, #tpu.memory_space<hbm>>
        tpu.enqueue_dma source(%dma_start3A_169 : memref<800xi32, #tpu.memory_space<hbm>>) target(%arg8 : memref<800xi32, #tpu.memory_space<vmem>>) target_semaphore(%arg11 : memref<!tpu.dma_semaphore, #tpu.memory_space<semaphore_mem>>)
      } else {
      }
      %add3A_145 = arith.constant 1 : i32
      %add3A_146 = arith.addi %add3A_116, %add3A_145 : i32
      %mul3A_147 = arith.constant 800 : i32
      %mul3A_148 = arith.muli %add3A_146, %mul3A_147 : i32
      %dma_wait3A_149 = tpu.memref_slice %arg2[%mul3A_148] : memref<64000xi32, #tpu.memory_space<hbm>> -> memref<800xi32, #tpu.memory_space<hbm>>
      %dma_wait3A_150 = tpu.memref_slice %arg2[%mul3A_148] : memref<64000xi32, #tpu.memory_space<hbm>> -> memref<800xi32, #tpu.memory_space<hbm>>
      tpu.wait_dma2 semaphore(%arg12 : memref<!tpu.dma_semaphore, #tpu.memory_space<semaphore_mem>>) src(%dma_wait3A_150 : memref<800xi32, #tpu.memory_space<hbm>>) dst(%arg7 : memref<800xi32, #tpu.memory_space<vmem>>)
      %mul3A_151 = arith.constant 800 : i32
      %mul3A_152 = arith.muli %add3A_146, %mul3A_151 : i32
      %dma_wait3A_153 = tpu.memref_slice %arg3[%mul3A_152] : memref<64000xi32, #tpu.memory_space<hbm>> -> memref<800xi32, #tpu.memory_space<hbm>>
      %dma_wait3A_154 = tpu.memref_slice %arg3[%mul3A_152] : memref<64000xi32, #tpu.memory_space<hbm>> -> memref<800xi32, #tpu.memory_space<hbm>>
      tpu.wait_dma2 semaphore(%arg12 : memref<!tpu.dma_semaphore, #tpu.memory_space<semaphore_mem>>) src(%dma_wait3A_154 : memref<800xi32, #tpu.memory_space<hbm>>) dst(%arg9 : memref<800xi32, #tpu.memory_space<vmem>>)
      %scan3A_155 = arith.constant 0 : i32
      %scan3A_156 = arith.constant 50 : i32
      %scan3A_157 = arith.addi %scan3A_155, %scan3A_156 : i32
      %scan3A_158 = arith.constant 1 : i32
      scf.for %scan3A_160 = %scan3A_155 to %scan3A_157 step %scan3A_158  : i32 {
        %mul3A_161 = arith.constant 16 : i32
        %mul3A_162 = arith.muli %scan3A_160, %mul3A_161 : i32
        %add3A_163 = arith.constant 0 : i32
        %add3A_164 = arith.addi %add3A_163, %mul3A_162 : i32
        %get3A = arith.index_cast %add3A_164 : i32 to index
        %get3A_165 = tpu.vector_load %arg7[%get3A] {strides = array<i32>} : memref<800xi32, #tpu.memory_space<vmem>>, vector<16xi32>,
        %get3A_166 = arith.index_cast %add3A_164 : i32 to index
        %get3A_167 = tpu.vector_load %arg9[%get3A_166] {strides = array<i32>} : memref<800xi32, #tpu.memory_space<vmem>>, vector<16xi32>,
        %sub3A = vector.broadcast %mul3A_2 : i32 to vector<16xi32>
        %sub3A_168 = arith.subi %get3A_167, %sub3A : vector<16xi32>
        %ge3A = arith.constant 0 : i32
        %ge3A_169 = vector.broadcast %ge3A : i32 to vector<16xi32>
        %ge3A_170 = arith.cmpi sge, %sub3A_168, %ge3A_169 : vector<16xi32>
        %lt3A_171 = arith.constant 63 : i32
        %lt3A_172 = vector.broadcast %lt3A_171 : i32 to vector<16xi32>
        %lt3A_173 = arith.cmpi slt, %sub3A_168, %lt3A_172 : vector<16xi32>
        %and3A_174 = arith.andi %ge3A_170, %lt3A_173 : vector<16xi1>
        %max3A = arith.constant 0 : i32
        %max3A_175 = vector.broadcast %max3A : i32 to vector<16xi32>
        %max3A_176 = arith.maxsi %sub3A_168, %max3A_175 : vector<16xi32>
        %min3A_177 = arith.constant 62 : i32
        %min3A_178 = vector.broadcast %min3A_177 : i32 to vector<16xi32>
        %min3A_179 = arith.minsi %max3A_176, %min3A_178 : vector<16xi32>
        %mul3A_180 = arith.constant 2000 : i32
        %mul3A_181 = vector.broadcast %mul3A_180 : i32 to vector<16xi32>
        %mul3A_182 = arith.muli %min3A_179, %mul3A_181 : vector<16xi32>
        %add3A_183 = arith.addi %mul3A_182, %get3A_165 : vector<16xi32>
        tpu.vector_store_idx %arg5[%add3A_183], %broadcast_in_dim3A_5 masked %and3A_174 {add = true} : memref<126000xf32, #tpu.memory_space<vmem>>[vector<16xi32>], vector<16xf32>, vector<16xi1>
      }
      %scan3A_159 = arith.constant 50 : i32
    }
    %scan3A_106 = arith.constant 40 : i32
    %mul3A_107 = arith.constant 126000 : i32
    %mul3A_108 = arith.muli %add3A, %mul3A_107 : i32
    %dma_start3A_109 = tpu.memref_slice %arg4[%mul3A_108] : memref<4032000xf32, #tpu.memory_space<hbm>> -> memref<126000xf32, #tpu.memory_space<hbm>>
    %dma_start3A_110 = tpu.memref_slice %arg4[%mul3A_108] : memref<4032000xf32, #tpu.memory_space<hbm>> -> memref<126000xf32, #tpu.memory_space<hbm>>
    tpu.enqueue_dma source(%arg5 : memref<126000xf32, #tpu.memory_space<vmem>>) target(%dma_start3A_110 : memref<126000xf32, #tpu.memory_space<hbm>>) target_semaphore(%arg10 : memref<!tpu.dma_semaphore, #tpu.memory_space<semaphore_mem>>)
    %dma_wait3A = tpu.memref_slice %arg4[%mul3A_108] : memref<4032000xf32, #tpu.memory_space<hbm>> -> memref<126000xf32, #tpu.memory_space<hbm>>
    %dma_wait3A_111 = tpu.memref_slice %arg4[%mul3A_108] : memref<4032000xf32, #tpu.memory_space<hbm>> -> memref<126000xf32, #tpu.memory_space<hbm>>
    tpu.wait_dma2 semaphore(%arg10 : memref<!tpu.dma_semaphore, #tpu.memory_space<semaphore_mem>>) src(%arg5 : memref<126000xf32, #tpu.memory_space<vmem>>) dst(%dma_wait3A_111 : memref<126000xf32, #tpu.memory_space<hbm>>)
    return
  }
}

module attributes {stable_mosaic.version = 14 : i64} {
  func.func @_tc_body(%arg0: i32, %arg1: memref<2000x2000xbf16, #tpu.memory_space<vmem>>, %arg2: memref<4x2000x128xbf16, #tpu.memory_space<vmem>>, %arg3: memref<128x128xbf16, #tpu.memory_space<vmem>>, %arg4: memref<1x128xf32, #tpu.memory_space<vmem>>, %arg5: memref<4x2000x128xf32, #tpu.memory_space<vmem>>, %arg6: memref<2000x2000xbf16, #tpu.memory_space<vmem>>) attributes {dimension_semantics = [#tpu.dimension_semantics<arbitrary>], iteration_bounds = array<i64: 24>, scalar_prefetch = 0 : i64, scratch_operands = 1 : i64, tpu.core_type = #tpu.core_type<tc>, window_params = [{pipeline_mode = #tpu.pipeline_mode<synchronous>, transform_indices = @transform_0, window_bounds = array<i64: 2000, 2000>}, {transform_indices = @transform_1, window_bounds = array<i64: 4, 2000, 128>}, {pipeline_mode = #tpu.pipeline_mode<synchronous>, transform_indices = @transform_2, window_bounds = array<i64: 128, 128>}, {pipeline_mode = #tpu.pipeline_mode<synchronous>, transform_indices = @transform_3, window_bounds = array<i64: 1, 128>}, {transform_indices = @transform_4, window_bounds = array<i64: 4, 2000, 128>}]} {
    %eq3A = arith.constant 0 : i32
    %eq3A_0 = arith.cmpi eq, %arg0, %eq3A : i32
    %convert_element_type3A = arith.extui %eq3A_0 : i1 to i32
    %cond3A = arith.constant 0 : i32
    %cond3A_1 = arith.cmpi ne, %convert_element_type3A, %cond3A : i32
    scf.if %cond3A_1 {
      %get3A_67 = arith.constant 0 : index
      %get3A_68 = arith.constant 0 : index
      %get3A_69 = vector.load %arg1[%get3A_67, %get3A_68] : memref<2000x2000xbf16, #tpu.memory_space<vmem>>, vector<2000x2000xbf16>
      %convert_element_type3A_70 = arith.extf %get3A_69 : vector<2000x2000xbf16> to vector<2000x2000xf32>
      %reduce_sum3A = arith.constant dense<0.000000e+00> : vector<2000xf32>
      %reduce_sum3A_71 = vector.multi_reduction <add>, %convert_element_type3A_70, %reduce_sum3A [1] : vector<2000x2000xf32> to vector<2000xf32>
      %broadcast_in_dim3A = vector.shape_cast %reduce_sum3A_71 : vector<2000xf32> to vector<2000x1xf32>
      %rsqrt3A = math.rsqrt %broadcast_in_dim3A : vector<2000x1xf32>
      %mul3A = vector.broadcast %rsqrt3A : vector<2000x1xf32> to vector<2000x2000xf32>
      %mul3A_72 = arith.mulf %convert_element_type3A_70, %mul3A : vector<2000x2000xf32>
      %reshape3A_73 = vector.shape_cast %rsqrt3A : vector<2000x1xf32> to vector<1x2000xf32>
      %mul3A_74 = vector.broadcast %reshape3A_73 : vector<1x2000xf32> to vector<2000x2000xf32>
      %mul3A_75 = arith.mulf %mul3A_72, %mul3A_74 : vector<2000x2000xf32>
      %convert_element_type3A_76 = arith.truncf %mul3A_75 : vector<2000x2000xf32> to vector<2000x2000xbf16>
      %swap3A_77 = arith.constant 0 : index
      %swap3A_78 = arith.constant 0 : index
      %swap3A_79 = vector.load %arg6[%swap3A_77, %swap3A_78] : memref<2000x2000xbf16, #tpu.memory_space<vmem>>, vector<2000x2000xbf16>
      tpu.vector_store %arg6[%swap3A_77, %swap3A_78], %convert_element_type3A_76 {strides = array<i32>} : memref<2000x2000xbf16, #tpu.memory_space<vmem>>, vector<2000x2000xbf16>,
    } else {
    }
    %get3A = arith.constant 0 : index
    %get3A_2 = arith.constant 0 : index
    %get3A_3 = arith.constant 0 : index
    %get3A_4 = vector.load %arg2[%get3A, %get3A_2, %get3A_3] : memref<4x2000x128xbf16, #tpu.memory_space<vmem>>, vector<4x2000x128xbf16>
    %reshape3A = vector.shape_cast %get3A_4 : vector<4x2000x128xbf16> to vector<8000x128xbf16>
    %get3A_5 = arith.constant 0 : index
    %get3A_6 = arith.constant 0 : index
    %get3A_7 = vector.load %arg3[%get3A_5, %get3A_6] : memref<128x128xbf16, #tpu.memory_space<vmem>>, vector<128x128xbf16>
    %dot_general3A = arith.constant dense<0.000000e+00> : vector<8000x128xf32>
    %dot_general3A_8 = tpu.matmul %reshape3A, %get3A_7, %dot_general3A {dimension_numbers = #tpu.dot_dimension_numbers<[1], [0], [0], [1], [0, 0, 1, 1], [], []>, transpose_lhs_hint = false} : vector<8000x128xbf16>, vector<128x128xbf16>, vector<8000x128xf32> -> vector<8000x128xf32>
    %slice3A = vector.extract_strided_slice %dot_general3A_8 {offsets = [0, 0], sizes = [2000, 128], strides = [1, 1]} : vector<8000x128xf32> to vector<2000x128xf32>
    %convert_element_type3A_9 = arith.truncf %slice3A : vector<2000x128xf32> to vector<2000x128xbf16>
    %slice3A_10 = vector.extract_strided_slice %dot_general3A_8 {offsets = [2000, 0], sizes = [2000, 128], strides = [1, 1]} : vector<8000x128xf32> to vector<2000x128xf32>
    %convert_element_type3A_11 = arith.truncf %slice3A_10 : vector<2000x128xf32> to vector<2000x128xbf16>
    %slice3A_12 = vector.extract_strided_slice %dot_general3A_8 {offsets = [4000, 0], sizes = [2000, 128], strides = [1, 1]} : vector<8000x128xf32> to vector<2000x128xf32>
    %convert_element_type3A_13 = arith.truncf %slice3A_12 : vector<2000x128xf32> to vector<2000x128xbf16>
    %slice3A_14 = vector.extract_strided_slice %dot_general3A_8 {offsets = [6000, 0], sizes = [2000, 128], strides = [1, 1]} : vector<8000x128xf32> to vector<2000x128xf32>
    %convert_element_type3A_15 = arith.truncf %slice3A_14 : vector<2000x128xf32> to vector<2000x128xbf16>
    %concatenate3A = tpu.concatenate %convert_element_type3A_9, %convert_element_type3A_11, %convert_element_type3A_13, %convert_element_type3A_15 in 1 : vector<2000x128xbf16>, vector<2000x128xbf16>, vector<2000x128xbf16>, vector<2000x128xbf16> -> vector<2000x512xbf16>
    %get3A_16 = arith.constant 0 : index
    %get3A_17 = arith.constant 0 : index
    %get3A_18 = vector.load %arg6[%get3A_16, %get3A_17] : memref<2000x2000xbf16, #tpu.memory_space<vmem>>, vector<2000x2000xbf16>
    %dot_general3A_19 = arith.constant dense<0.000000e+00> : vector<2000x512xf32>
    %dot_general3A_20 = tpu.matmul %get3A_18, %concatenate3A, %dot_general3A_19 {dimension_numbers = #tpu.dot_dimension_numbers<[1], [0], [0], [1], [0, 0, 1, 1], [], []>, transpose_lhs_hint = false} : vector<2000x2000xbf16>, vector<2000x512xbf16>, vector<2000x512xf32> -> vector<2000x512xf32>
    %slice3A_21 = vector.extract_strided_slice %dot_general3A_20 {offsets = [0, 0], sizes = [2000, 128], strides = [1, 1]} : vector<2000x512xf32> to vector<2000x128xf32>
    %get3A_22 = arith.constant 0 : index
    %get3A_23 = arith.constant 0 : index
    %get3A_24 = vector.load %arg4[%get3A_22, %get3A_23] : memref<1x128xf32, #tpu.memory_space<vmem>>, vector<1x128xf32>
    %add3A = vector.broadcast %get3A_24 : vector<1x128xf32> to vector<2000x128xf32>
    %add3A_25 = arith.addf %slice3A_21, %add3A : vector<2000x128xf32>
    %swap3A = arith.constant 0 : index
    %swap3A_26 = arith.constant 0 : index
    %swap3A_27 = arith.constant 0 : index
    %swap3A_28 = vector.load %arg5[%swap3A, %swap3A_26, %swap3A_27] : memref<4x2000x128xf32, #tpu.memory_space<vmem>>, vector<1x2000x128xf32>
    %swap3A_29 = vector.shape_cast %swap3A_28 : vector<1x2000x128xf32> to vector<2000x128xf32>
    %swap3A_30 = vector.shape_cast %add3A_25 : vector<2000x128xf32> to vector<1x2000x128xf32>
    tpu.vector_store %arg5[%swap3A, %swap3A_26, %swap3A_27], %swap3A_30 {strides = array<i32>} : memref<4x2000x128xf32, #tpu.memory_space<vmem>>, vector<1x2000x128xf32>,
    %slice3A_31 = vector.extract_strided_slice %dot_general3A_20 {offsets = [0, 128], sizes = [2000, 128], strides = [1, 1]} : vector<2000x512xf32> to vector<2000x128xf32>
    %get3A_32 = arith.constant 0 : index
    %get3A_33 = arith.constant 0 : index
    %get3A_34 = vector.load %arg4[%get3A_32, %get3A_33] : memref<1x128xf32, #tpu.memory_space<vmem>>, vector<1x128xf32>
    %add3A_35 = vector.broadcast %get3A_34 : vector<1x128xf32> to vector<2000x128xf32>
    %add3A_36 = arith.addf %slice3A_31, %add3A_35 : vector<2000x128xf32>
    %swap3A_37 = arith.constant 1 : index
    %swap3A_38 = arith.constant 0 : index
    %swap3A_39 = arith.constant 0 : index
    %swap3A_40 = vector.load %arg5[%swap3A_37, %swap3A_38, %swap3A_39] : memref<4x2000x128xf32, #tpu.memory_space<vmem>>, vector<1x2000x128xf32>
    %swap3A_41 = vector.shape_cast %swap3A_40 : vector<1x2000x128xf32> to vector<2000x128xf32>
    %swap3A_42 = vector.shape_cast %add3A_36 : vector<2000x128xf32> to vector<1x2000x128xf32>
    tpu.vector_store %arg5[%swap3A_37, %swap3A_38, %swap3A_39], %swap3A_42 {strides = array<i32>} : memref<4x2000x128xf32, #tpu.memory_space<vmem>>, vector<1x2000x128xf32>,
    %slice3A_43 = vector.extract_strided_slice %dot_general3A_20 {offsets = [0, 256], sizes = [2000, 128], strides = [1, 1]} : vector<2000x512xf32> to vector<2000x128xf32>
    %get3A_44 = arith.constant 0 : index
    %get3A_45 = arith.constant 0 : index
    %get3A_46 = vector.load %arg4[%get3A_44, %get3A_45] : memref<1x128xf32, #tpu.memory_space<vmem>>, vector<1x128xf32>
    %add3A_47 = vector.broadcast %get3A_46 : vector<1x128xf32> to vector<2000x128xf32>
    %add3A_48 = arith.addf %slice3A_43, %add3A_47 : vector<2000x128xf32>
    %swap3A_49 = arith.constant 2 : index
    %swap3A_50 = arith.constant 0 : index
    %swap3A_51 = arith.constant 0 : index
    %swap3A_52 = vector.load %arg5[%swap3A_49, %swap3A_50, %swap3A_51] : memref<4x2000x128xf32, #tpu.memory_space<vmem>>, vector<1x2000x128xf32>
    %swap3A_53 = vector.shape_cast %swap3A_52 : vector<1x2000x128xf32> to vector<2000x128xf32>
    %swap3A_54 = vector.shape_cast %add3A_48 : vector<2000x128xf32> to vector<1x2000x128xf32>
    tpu.vector_store %arg5[%swap3A_49, %swap3A_50, %swap3A_51], %swap3A_54 {strides = array<i32>} : memref<4x2000x128xf32, #tpu.memory_space<vmem>>, vector<1x2000x128xf32>,
    %slice3A_55 = vector.extract_strided_slice %dot_general3A_20 {offsets = [0, 384], sizes = [2000, 128], strides = [1, 1]} : vector<2000x512xf32> to vector<2000x128xf32>
    %get3A_56 = arith.constant 0 : index
    %get3A_57 = arith.constant 0 : index
    %get3A_58 = vector.load %arg4[%get3A_56, %get3A_57] : memref<1x128xf32, #tpu.memory_space<vmem>>, vector<1x128xf32>
    %add3A_59 = vector.broadcast %get3A_58 : vector<1x128xf32> to vector<2000x128xf32>
    %add3A_60 = arith.addf %slice3A_55, %add3A_59 : vector<2000x128xf32>
    %swap3A_61 = arith.constant 3 : index
    %swap3A_62 = arith.constant 0 : index
    %swap3A_63 = arith.constant 0 : index
    %swap3A_64 = vector.load %arg5[%swap3A_61, %swap3A_62, %swap3A_63] : memref<4x2000x128xf32, #tpu.memory_space<vmem>>, vector<1x2000x128xf32>
    %swap3A_65 = vector.shape_cast %swap3A_64 : vector<1x2000x128xf32> to vector<2000x128xf32>
    %swap3A_66 = vector.shape_cast %add3A_60 : vector<2000x128xf32> to vector<1x2000x128xf32>
    tpu.vector_store %arg5[%swap3A_61, %swap3A_62, %swap3A_63], %swap3A_66 {strides = array<i32>} : memref<4x2000x128xf32, #tpu.memory_space<vmem>>, vector<1x2000x128xf32>,
    return
  }
  func.func @transform_0(%arg0: i32) -> (i32, i32) {
    %c0_i32 = arith.constant 0 : i32
    %c0_i32_0 = arith.constant 0 : i32
    %c0_i32_1 = arith.constant 0 : i32
    return %c0_i32, %c0_i32_0 : i32, i32
  }
  func.func @transform_1(%arg0: i32) -> (i32, i32, i32) {
    %c0_i32 = arith.constant 0 : i32
    %c0_i32_0 = arith.constant 0 : i32
    %c0_i32_1 = arith.constant 0 : i32
    return %arg0, %c0_i32, %c0_i32_0 : i32, i32, i32
  }
  func.func @transform_2(%arg0: i32) -> (i32, i32) {
    %c0_i32 = arith.constant 0 : i32
    %c0_i32_0 = arith.constant 0 : i32
    %c0_i32_1 = arith.constant 0 : i32
    return %c0_i32, %c0_i32_0 : i32, i32
  }
  func.func @transform_3(%arg0: i32) -> (i32, i32) {
    %c0_i32 = arith.constant 0 : i32
    %c0_i32_0 = arith.constant 0 : i32
    %c0_i32_1 = arith.constant 0 : i32
    return %c0_i32, %c0_i32_0 : i32, i32
  }
  func.func @transform_4(%arg0: i32) -> (i32, i32, i32) {
    %c0_i32 = arith.constant 0 : i32
    %c0_i32_0 = arith.constant 0 : i32
    %c0_i32_1 = arith.constant 0 : i32
    return %arg0, %c0_i32, %c0_i32_0 : i32, i32, i32
  }
}

</mosaic_0001>

<sc_bundles>
// kernel: kernel.4.cloned.1.call-start
scs
__scs_entry_jumppad:
0x0: {  	(pc) =	sbr.rel $0x88, $3  }
0x1: {  	(tag) =	ssettag $0x0;
	lr =	simm.s32 $0x1  }
0x2: {  	[smem:$0x3F9D] =	sst lr;
	_ =	strace $0xD0000000  }
0x3: {  	_ = 	snop  }
0x4: {  	_ = 	snop  }
0x5: {  	_ = 	snop  }
0x6: {  	_ = 	snop  }
0x7: {  	_ = 	snop  }
__scs_overlays_trampoline_lowered:
0x8: {  	[smem:$0x3FAC] =	sst s0  }
0x9: {  	[smem:$0x3FAD] =	sst s1  }
0xa: {  	[smem:$0x3FAE] =	sst s2  }
0xb: {  	[smem:$0x3FAF] =	sst s3  }
0xc: {  	[smem:$0x3FB0] =	sst s4  }
0xd: {  	[smem:$0x3FB1] =	sst s5  }
0xe: {  	[smem:$0x3FB2] =	sst s6  }
0xf: {  	[smem:$0x3FB3] =	sst s7  }
0x10: {  	[smem:$0x3FB4] =	sst s8  }
0x11: {  	[smem:$0x3FB5] =	sst s9;
	s0 =	simm.s32 @!p0 $0x0  }
0x12: {  	s1 =	sld [smem:$0x3F9B];
	s0 =	simm.s32 @p0 $0x1  }
0x13: {  	[smem:$0x3FB6] =	sst s0;
	s0 =	simm.s32 @!p1 $0x0  }
0x14: {  	s2 =	sld [smem:$0x3F9A];
	s0 =	simm.s32 @p1 $0x1  }
0x15: {  	[smem:$0x3FB7] =	sst s0;
	s0 =	simm.s32 @!p2 $0x0  }
0x16: {  	s3 =	sld [smem:$0x3FDB];
	s0 =	simm.s32 @p2 $0x1  }
0x17: {  	s4 =	simm.s32 $0x1BF5;
	[smem:$0x3FB9] =	sst s0  }
0x18: {  	s0 =	sld [smem:$0x3F9C];
	_ =	swait.ge [sflag:s4], $0x0  }
0x19: {  	s7 =	sld [smem:$0x3F9D]  }
0x1a: {  	s8 =	sadd.s32 $0xFFFFE003, lr  }
0x1b: {  	s9 =	sadd.s32 $0xFFFFFEF7, lr;
	s5 =	simm.s32 $0xFFFFFFFF;
	p2 =	slt.u32 s8, $0xFFFFF086  }
0x1c: {  	p1 =	slt.u32 s9, $0xF7A;
	s5 =	simm.s32 @!p2 $0x0  }
0x1d: {  	s5 =	simm.s32 @p1 $0x1;
	p0 =	seq.s32 s7, s2  }
0x1e: {  	s7 =	smul.u32 @!p0 $0xF7A, s2;
	p2 =	seq.s32 @!p0 s5, $0x0  }
0x1f: {  	s9 =	smul.u32 $0xF7A, s1;
	s8 =	simm.s32 @!p0 $0x1BF5;
	p2 =	por !p2, p0  }
0x20: {  	[sflag:s8] =	ssyncset.s32 @!p0 $0xFFFFF086;
	s6 =	sadd.s32 @!p0 s3, s7;
	s7 =	simm.s32 @!p0 $0x108  }
0x21: {  	s3 =	sadd.s32 s3, s9;
	s6 =	sadd.s32 @!p0 $0x88, s6;
	s7 =	simm.s32 @p2 $0x1082  }
0x22: {  	[simem:s7], [sflag:s8] =	dma.local @!p0 [hbm:s6], $0xF7A  }
0x23: {  	s9 =	sor.u32 $0xD0000000, s2;
	s6 =	simm.s32 $0x108;
	_ =	swait.ge @!p0 [sflag:s8], $0x0  }
0x24: {  	s3 =	sadd.s32 $0x88, s3;
	s6 =	simm.s32 @!p1 $0x1082;
	[sflag:s4] =	ssyncset.s32 $0xFFFFF086  }
0x25: {  	[simem:s6], [sflag:s4] =	dma.local [hbm:s3], $0xF7A  }
0x26: {  	[smem:$0x3F9D] =	sst s1;
	(tag) =	ssettag s2;
	_ =	strace s9  }
0x27: {  	s1 =	sld [smem:$0x3FAD]  }
0x28: {  	s2 =	sld [smem:$0x3FAE]  }
0x29: {  	s4 =	sld [smem:$0x3FB0]  }
0x2a: {  	p0 =	seq.s32 s5, $0x0;
	s5 =	sld [smem:$0x3FB1]  }
0x2b: {  	s6 =	sld [smem:$0x3FB2]  }
0x2c: {  	s7 =	sld [smem:$0x3FB3]  }
0x2d: {  	s3 =	simm.s32 $0x108;
	s8 =	sld [smem:$0x3FB4]  }
0x2e: {  	s3 =	simm.s32 @!p0 $0x1082;
	s9 =	sld [smem:$0x3FB5]  }
0x2f: {  	lr =	sadd.s32 s0, s3;
	s0 =	sld [smem:$0x3FAC]  }
0x30: {  	s3 =	sld [smem:$0x3FAF]  }
0x31: {  	[smem:$0x3FB8] =	sst s10  }
0x32: {  	s10 =	sld [smem:$0x3FB6];
	_ =	sdelay $0x3  }
0x33: {  	p0 =	seq.s32 s10, $0x1;
	s10 =	sld [smem:$0x3FB8];
	_ =	sdelay $0x3  }
0x34: {  	[smem:$0x3FB8] =	sst s10  }
0x35: {  	s10 =	sld [smem:$0x3FB7];
	_ =	sdelay $0x3  }
0x36: {  	p1 =	seq.s32 s10, $0x1;
	s10 =	sld [smem:$0x3FB8];
	_ =	sdelay $0x3  }
0x37: {  	[smem:$0x3FB8] =	sst s10  }
0x38: {  	s10 =	sld [smem:$0x3FB9]  }
0x39: {  	_ = 	snop;
	(pc) =	sbr.ind lr, $3  }
0x3a: {  	_ = 	snop  }
0x3b: {  	_ = 	snop  }
0x3c: {  	p2 =	seq.s32 s10, $0x1;
	s10 =	sld [smem:$0x3FB8]  }
0x3d: {  	_ =	shalt  }
0x3e: {  	_ =	shalt  }
0x3f: {  	_ =	shalt  }
0x40: {  	_ =	shalt  }
0x41: {  	_ =	shalt  }
0x42: {  	_ =	shalt  }
0x43: {  	_ =	shalt  }
0x44: {  	_ =	shalt  }
0x45: {  	_ =	shalt  }
0x46: {  	_ =	shalt  }
0x47: {  	_ =	shalt  }
0x48: {  	_ =	shalt  }
0x49: {  	_ =	shalt  }
0x4a: {  	_ =	shalt  }
0x4b: {  	_ =	shalt  }
0x4c: {  	_ =	shalt  }
0x4d: {  	_ =	shalt  }
0x4e: {  	_ =	shalt  }
0x4f: {  	_ =	shalt  }
0x50: {  	_ =	shalt  }
0x51: {  	_ =	shalt  }
0x52: {  	_ =	shalt  }
0x53: {  	_ =	shalt  }
0x54: {  	_ =	shalt  }
0x55: {  	_ =	shalt  }
0x56: {  	_ =	shalt  }
0x57: {  	_ =	shalt  }
0x58: {  	_ =	shalt  }
0x59: {  	_ =	shalt  }
0x5a: {  	_ =	shalt  }
0x5b: {  	_ =	shalt  }
0x5c: {  	_ =	shalt  }
0x5d: {  	_ =	shalt  }
0x5e: {  	_ =	shalt  }
0x5f: {  	_ =	shalt  }
0x60: {  	_ =	shalt  }
0x61: {  	_ =	shalt  }
0x62: {  	_ =	shalt  }
0x63: {  	_ =	shalt  }
0x64: {  	_ =	shalt  }
0x65: {  	_ =	shalt  }
0x66: {  	_ =	shalt  }
0x67: {  	_ =	shalt  }
0x68: {  	_ =	shalt  }
0x69: {  	_ =	shalt  }
0x6a: {  	_ =	shalt  }
0x6b: {  	_ =	shalt  }
0x6c: {  	_ =	shalt  }
0x6d: {  	_ =	shalt  }
0x6e: {  	_ =	shalt  }
0x6f: {  	_ =	shalt  }
0x70: {  	_ =	shalt  }
0x71: {  	_ =	shalt  }
0x72: {  	_ =	shalt  }
0x73: {  	_ =	shalt  }
0x74: {  	_ =	shalt  }
0x75: {  	_ =	shalt  }
0x76: {  	_ =	shalt  }
0x77: {  	_ =	shalt  }
0x78: {  	_ =	shalt  }
0x79: {  	_ =	shalt  }
0x7a: {  	_ =	shalt  }
0x7b: {  	_ =	shalt  }
0x7c: {  	_ =	shalt  }
0x7d: {  	_ =	shalt  }
0x7e: {  	_ =	shalt  }
0x7f: {  	_ =	shalt  }
0x80: {  	_ =	shalt  }
0x81: {  	_ =	shalt  }
0x82: {  	_ =	shalt  }
0x83: {  	_ =	shalt  }
0x84: {  	_ =	shalt  }
0x85: {  	_ =	shalt  }
0x86: {  	_ =	shalt  }
0x87: {  	_ =	shalt  }
.Lfunc_end0:
.L_simem_size_0:
called_computation_lowered:
.L_overlay_start_0:
0x88: {  	s2 =	sld [smem:$0x3FD9]  }
0x89: {  	s3 =	sld [smem:$0x3FFE];
	_ =	sdelay $0x1  }
0x8a: {  	s1 =	srdreg.scid  }
0x8b: {  	s0 =	sand.u32 $0x1, s1  }
0x8c: {  	s17 =	sshll.u32 s0, $0xA;
	s2 =	sadd.s32 s3, s2  }
0x8d: {  	s2 =	sadd.s32 s2, s17  }
0x8e: {  	[smem:$0x3FC4] =	sst s2  }
0x8f: {  	_ = 	snop  }
0x90: {  	s2 =	sld [smem:$0x3FD0];
	(tm) =	ssettm $0x1  }
0x91: {  	s18 =	sld [smem:$0x3FFB];
	_ =	sdelay $0x3  }
0x92: {  	_ =	strace s18  }
0x93: {  	s3 =	sld [smem:$0x3FFC];
	_ =	sdelay $0x3  }
0x94: {  	_ =	strace s3  }
0x95: {  	s3 =	sld [smem:$0x3FFD];
	_ =	sdelay $0x3  }
0x96: {  	_ =	strace s3  }
0x97: {  	_ =	strace $0x8FFFFFFF  }
0x98: {  	s19 =	sld [smem:$0x3FDB];
	_ =	sdelay $0x1  }
0x99: {  	s4 =	simm.s32 $_scs_section_size  }
0x9a: {  	s5 =	simm.s32 $_size__tile_overlayer_lowered;
	s6 =	simm.s32 $_tile_overlayer_lowered  }
0x9b: {  	s22 =	simm.s32 $0x1BFF;
	s21 =	sshll.u32 s6, $0x1;
	s3 =	sadd.s32 s4, s19  }
0x9c: {  	s7 =	simm.s32 $0x0;
	s20 =	sshll.u32 s5, $0x1;
	s5 =	sadd.s32 s21, s3  }
0x9d: {  	[timem:s7], [sflag:s22] =	dma.local [hbm:s5], s20  }
0x9e: {  	_ =	swait.ge [sflag:s22], s20  }
0x9f: {  	s4 =	ssub.s32 $0x0, s20;
	[sflag:s22] =	ssyncset.done $0x0  }
0xa0: {  	[sflag:s22] =	ssyncadd.s32 s4;
	_ =	sdelay $0x1  }
0xa1: {  	s23 =	simm.s32 $0x1B8B  }
0xa2: {  	_ =	swait.ge [sflag:s23], $0x1  }
0xa3: {  	[sflag:s23] =	ssyncset.done $0x0  }
0xa4: {  	s25 =	simm.s32 $0x1B8E;
	s24 =	sld [smem:$0x3FFE];
	[sflag:s23] =	ssyncadd.s32 $0xFFFFFFFF  }
0xa5: {  	s26 =	simm.s32 $execute0_lowered;
	[smem:$0x3FD2] =	sst s25  }
0xa6: {  	s5 =	sshll.u32 s26, $0x1;
	_ =	strace $0x80000046;
	[dreg:$0x1] =	wrdreg $0xFFFFFFFF  }
0xa7: {  	s28 =	simm.s32 $_size_execute0_lowered;
	s3 =	sadd.s32 s3, s5;
	[dreg:$0x0] =	wrdreg $0x0  }
0xa8: {  	s5 =	sshll.u32 s28, $0x1;
	[dreg:$0x2] =	wrdreg s3  }
0xa9: {  	[dreg:$0x3] =	wrdreg s5  }
0xaa: {  	[dreg:$0x4] =	wrdreg $0xC0  }
0xab: {  	_ =	task [dreg:s7], $0x5FFFF  }
0xac: {  	[dreg:$0x1] =	wrdreg $0xFFFFFFFF  }
0xad: {  	[dreg:$0x0] =	wrdreg $0x60  }
0xae: {  	[dreg:$0x2] =	wrdreg s24  }
0xaf: {  	[dreg:$0x3] =	wrdreg s2  }
0xb0: {  	[dreg:$0x4] =	wrdreg $0x9  }
0xb1: {  	_ =	task.clear_ibuf [dreg:s7], $0x5FFFF;
	_ =	strace $0x90000046  }
0xb2: {  	s29 =	simm.s32 $0x9;
	_ =	strace $0x80000048  }
0xb3: {  	_ =	swait.ge [sflag:s29], $0x1  }
0xb4: {  	[sflag:s29] =	ssyncadd.s32 $0xFFFFFFFF  }
0xb5: {  	_ =	strace $0x90000048  }
0xb6: {  	_ =	sfence  }
0xb7: {  	s30 =	sld [smem:$0x0];
	_ =	sdelay $0x2  }
0xb8: {  	s31 =	sshll.u32 s1, $0xD;
	s1 =	sshrl.u32 s1, $0x2  }
0xb9: {  	s3 =	sand.u32 $0x4000, s31;
	s1 =	sadd.s32 s1, s30  }
0xba: {  	s0 =	sor.u32 s3, s0;
	s1 =	sshll.u32 s1, $0x11  }
0xbb: {  	s0 =	sor.u32 s1, s0  }
0xbc: {  	s0 =	sadd.s32 $0x8F2B, s0  }
0xbd: {  	[sflag:s0] =	ssyncadd.remote.s32 $0x1  }
0xbe: {  	_ =	sfence.sel $0xFFFF  }
0xbf: {  	[dreg:$0x0] =	wrdreg $0xFFFFFFFF;
	(pc) =	sbr.abs _section_cstart, $3  }
0xc0: {  	[dreg:$0x1] =	wrdreg $0xFFFFFFFF  }
0xc1: {  	_ =	task.clear_ibuf [dreg:s7], $0x2FFFF;
	_ =	strace $0x9FFFFFFF  }
0xc2: {  	(tm) =	ssettm $0x7FFFFFFF  }
0xc3: {  	_ =	shalt  }
tec
execute0_lowered:
.L_overlay_start_1:
0x0: {  	(tag) =	ssettag $0x1  }
0x1: {  	s1 =	srdreg.scid;
	s0 =	stileid.u32  }
0x2: {  	s4 =	sand.u32 $0x1, s1;
	s31 =	sshll.u32 s0, $0x1  }
0x3: {  	v3 =	vlaneseq.u32;
	s5 =	sor.u32 s4, s31  }
0x4: {  	vm0 =	vcmask $0x300;
	v2 =	vmul.u32 $0x7D0, v3;
	s6 =	smul.u32 $0x3F, s5  }
0x5: {  	vm2 =	vmmov $0x7fff;
	vm3 =	vcmask $0x3330;
	v1 =	vor.u32 $0x10, v3  }
0x6: {  	v5 =	vadd.s32 $0x7D00, v2;
	v6 =	vadd.s32 s6, v3;
	v7 =	vadd.s32 s6, v1  }
0x7: {  	v1 =	vimm.s32 $0x1E460;
	v0 =	vmin.u32 v6, $0x7CF;
	v4 =	vmin.u32 v7, $0x7CF  }
0x8: {  	v1 =	vsel vm0, $0x17700, v1;
	vm0 =	vcmask $0x704;
	v0 =	vadd.s32 v2, v0  }
0x9: {  	v8 =	vsel vm0, $0x17ED0, v1;
	vm0 =	vcmask $0xB08;
	v1 =	vadd.s32 v5, v4  }
0xa: {  	v5 =	vor.u32 $0x20, v3;
	v4 =	vsel vm0, $0x186A0, v8;
	vm0 =	vcmask $0xF0C  }
0xb: {  	v2 =	vadd.s32 $0xFA00, v2;
	v4 =	vsel vm0, $0x18E70, v4;
	vm0 =	vcmask $0x1310  }
0xc: {  	v3 =	vor.u32 $0x30, v3;
	v4 =	vsel vm0, $0x19640, v4;
	vm0 =	vcmask $0x1714  }
0xd: {  	v8 =	vadd.s32 s6, v5;
	v4 =	vsel vm0, $0x19E10, v4;
	vm0 =	vcmask $0x1B18  }
0xe: {  	v5 =	vmin.u32 v8, $0x7CF;
	v4 =	vsel vm0, $0x1A5E0, v4;
	vm0 =	vcmask $0x1F1C  }
0xf: {  	s7 =	rddreg [dreg:$0x1];
	v2 =	vadd.s32 v2, v5;
	v4 =	vsel vm0, $0x1ADB0, v4;
	vm0 =	vcmask $0x2320  }
0x10: {  	s2 =	rddreg [dreg:$0x2];
	s3 =	simm.s32 $0x0;
	v5 =	vadd.s32 s6, v3;
	v4 =	vsel vm0, $0x1B580, v4;
	vm0 =	vcmask $0x2724  }
0x11: {  	s10 =	simm.s32 $0x1F700;
	s11 =	simm.s32 $0x2;
	s12 =	simm.s32 $0x3;
	vm1 =	vlt.u32 v5, $0x7D0;
	v3 =	vsel vm0, $0x1BD50, v4;
	vm0 =	vcmask $0x2B28  }
0x12: {  	s13 =	simm.s32 $0x1;
	s14 =	simm.s32 $0x0;
	s1 =	rddreg [dreg:$0x0];
	v5 =	vmin.u32 v5, $0x7CF;
	v3 =	vsel vm0, $0x1C520, v3;
	vm0 =	vcmask $0x2F2C  }
0x13: {  	[smem:$0x7FF] =	sst s3;
	s8 =	ssub.s32 $0x2, s4;
	s5 =	smul.u32 $0x3D86, s5;
	v3 =	vsel vm0, $0x1CCF0, v3;
	vm0 =	vmand vm1, vm2;
	vm1 =	vcmask $0x3734  }
0x14: {  	_ =	strace $0x80000047;
	s4 =	sadd.s32 $0x2000, s1;
	s9 =	sshrl.u32 s8, $0x1;
	vm2 =	vlt.u32 v7, $0x7D0;
	v4 =	vsel vm3, $0x1D4C0, v3;
	v3 =	vmov s6  }
0x15: {  	s8 =	ssub.s32 s8, s9;
	s9 =	simm.s32 $0x1F000;
	s5 =	sadd.s32 s7, s5;
	vm3 =	vlt.u32 v6, $0x7D0;
	v6 =	vimm.f32 $1.000000000e+00;
	v4 =	vsel vm1, $0x1DC90, v4  }
0x16: {  	s7 =	simm.s32 $0x1EC80;
	s6 =	smax.u32 s8, $0x1;
	s8 =	simm.s32 $0x1F380;
	vm1 =	vlt.u32 v8, $0x7D0;
	v4 =	vadd.s32 v4, v5;
	v5 =	vimm.f32 $0.0e+00  }
.LBB2_1:
0x17: {  	s15 =	simm.s32 $0x40;
	s16 =	simm.s32 $0x0  }
.LBB2_2:
0x18: {  	p0 =	sne.s32 s15, $0x7B080;
	[tilespmem:s16+$0x0] =	vst v5;
	s16 =	smov.u32 s15;
	s15 =	sadd.s32 $0x40, s15  }
.Ltmp0:
0x19: {  	(pc) =	sbr.rel @p0 .LBB2_2-.Ltmp0, $2  }
0x1a: {  	_ =	sdelay $0x2  }
0x1b: {  	s16 =	sshra.s32 s16, $0x2  }
0x1c: {  	_ =	sdelay $0x3  }
0x1d: {  	[tilespmem:s16+$0x0] =	vst v5;
	s15 =	simm.s32 $0x0  }
0x1e: {  	[tilespmem:v0+s15+$0x0] =	vst.idx.add.f32.msk vm3, v6  }
0x1f: {  	[tilespmem:v1+s15+$0x0] =	vst.idx.add.f32.msk vm2, v6  }
0x20: {  	[tilespmem:v2+s15+$0x0] =	vst.idx.add.f32.msk vm1, v6  }
0x21: {  	[tilespmem:v4+s15+$0x0] =	vst.idx.add.f32.msk vm0, v6  }
0x22: {  	[tilespmem:s7], [sflag:$0x2] =	stream.linear.gather [hbm4b:s4+s15], $0x320, $0x38;
	[tilespmem:$0x1FA80] =	vst v63  }
0x23: {  	s16 =	simm.s32 $0x0  }
0x24: {  	[tilespmem:s8], [sflag:$0x2] =	stream.linear.gather [hbm4b:s1+s15], $0x320, $0x38;
	[tilespmem:$0x1FA80] =	vst v63  }
.LBB2_4:
0x25: {  	s17 =	smul.u32 $0x640, s16;
	_ =	sdelay $0x1  }
0x26: {  	s18 =	sshrl.u32 s17, $0x3  }
0x27: {  	s18 =	sadd.s32 $0x64, s18  }
0x28: {  	s19 =	sadd.s32 s4, s18  }
0x29: {  	[tilespmem:s9], [sflag:$0x3] =	stream.linear.gather [hbm4b:s19+s15], $0x320, $0x38;
	[tilespmem:$0x1FA80] =	vst v63  }
0x2a: {  	s18 =	sadd.s32 s1, s18  }
0x2b: {  	[tilespmem:s10], [sflag:$0x3] =	stream.linear.gather [hbm4b:s18+s15], $0x320, $0x38;
	[tilespmem:$0x1FA80] =	vst v63  }
0x2c: {  	_ =	swait.ge [sflag:s11], $0x320  }
0x2d: {  	[sflag:s11] =	ssyncset.done $0x0  }
0x2e: {  	[sflag:s11] =	ssyncadd.s32 $0xFFFFFCE0  }
0x2f: {  	_ =	swait.ge [sflag:s11], $0x320  }
0x30: {  	[sflag:s11] =	ssyncset.done $0x0  }
0x31: {  	s19 =	simm.s32 $0x0;
	s18 =	simm.s32 $0x40;
	[sflag:s11] =	ssyncadd.s32 $0xFFFFFCE0  }
.LBB2_5:
0x32: {  	p0 =	sne.s32 s18, $0xC40;
	v7 =	vld [tilespmem:s19+$0x1F380];
	_ =	sdelay $0x4  }
0x33: {  	v7 =	vsub.s32 v7, v3  }
0x34: {  	v8 =	vld [tilespmem:s19+$0x1EC80];
	vm4 =	vgt.s32 v7, $0x0  }
0x35: {  	v9 =	vnsel vm4, $0x0, v7  }
0x36: {  	v9 =	vmin.u32 v9, $0x3E  }
0x37: {  	v9 =	vmul.u32 $0x7D0, v9  }
0x38: {  	vm4 =	vlt.u32 v7, $0x3F  }
0x39: {  	v7 =	vadd.s32 v8, v9  }
.Ltmp1:
0x3a: {  	(pc) =	sbr.rel @p0 .LBB2_5-.Ltmp1, $2  }
0x3b: {  	_ =	sdelay $0x2  }
0x3c: {  	s19 =	sshra.s32 s18, $0x2;
	s18 =	sadd.s32 $0x40, s18;
	[tilespmem:v7+s3+$0x0] =	vst.idx.add.f32.msk vm4, v6  }
0x3d: {  	v7 =	vld [tilespmem:s19+$0x1F380];
	_ =	sdelay $0x4  }
0x3e: {  	v7 =	vsub.s32 v7, v3  }
0x3f: {  	v8 =	vld [tilespmem:s19+$0x1EC80];
	vm4 =	vgt.s32 v7, $0x0  }
0x40: {  	v9 =	vnsel vm4, $0x0, v7  }
0x41: {  	v9 =	vmin.u32 v9, $0x3E  }
0x42: {  	v9 =	vmul.u32 $0x7D0, v9  }
0x43: {  	vm4 =	vlt.u32 v7, $0x3F  }
0x44: {  	v7 =	vadd.s32 v8, v9;
	_ =	sdelay $0x1  }
0x45: {  	p0 =	seq.s32 s16, $0x27  }
0x46: {  	s17 =	sshrl.u32 @!p0 s17, $0x3  }
0x47: {  	s17 =	sadd.s32 @!p0 $0xC8, s17  }
0x48: {  	s19 =	simm.s32 @!p0 $0x0;
	s20 =	simm.s32 @!p0 $0x1EC80;
	s18 =	sadd.s32 @!p0 s4, s17;
	[tilespmem:v7+s3+$0x0] =	vst.idx.add.f32.msk vm4, v6  }
0x49: {  	[tilespmem:s20], [sflag:$0x2] =	stream.linear.gather @!p0 [hbm4b:s18+s19], $0x320, $0x38;
	[tilespmem:$0x1FA80] =	vst v63  }
0x4a: {  	s17 =	sadd.s32 @!p0 s1, s17;
	s18 =	simm.s32 @!p0 $0x1F380  }
0x4b: {  	[tilespmem:s18], [sflag:$0x2] =	stream.linear.gather @!p0 [hbm4b:s17+s19], $0x320, $0x38;
	[tilespmem:$0x1FA80] =	vst v63  }
0x4c: {  	_ =	swait.ge [sflag:s12], $0x320  }
0x4d: {  	[sflag:s12] =	ssyncset.done $0x0  }
0x4e: {  	[sflag:s12] =	ssyncadd.s32 $0xFFFFFCE0  }
0x4f: {  	_ =	swait.ge [sflag:s12], $0x320  }
0x50: {  	[sflag:s12] =	ssyncset.done $0x0  }
0x51: {  	s18 =	simm.s32 $0x0;
	s17 =	simm.s32 $0x40;
	[sflag:s12] =	ssyncadd.s32 $0xFFFFFCE0  }
.LBB2_7:
0x52: {  	p0 =	sne.s32 s17, $0xC40;
	v7 =	vld [tilespmem:s18+$0x1F700];
	_ =	sdelay $0x4  }
0x53: {  	v7 =	vsub.s32 v7, v3  }
0x54: {  	v8 =	vld [tilespmem:s18+$0x1F000];
	vm4 =	vgt.s32 v7, $0x0  }
0x55: {  	v9 =	vnsel vm4, $0x0, v7  }
0x56: {  	v9 =	vmin.u32 v9, $0x3E  }
0x57: {  	v9 =	vmul.u32 $0x7D0, v9  }
0x58: {  	vm4 =	vlt.u32 v7, $0x3F  }
0x59: {  	v7 =	vadd.s32 v8, v9  }
.Ltmp2:
0x5a: {  	(pc) =	sbr.rel @p0 .LBB2_7-.Ltmp2, $2  }
0x5b: {  	_ =	sdelay $0x2  }
0x5c: {  	s18 =	sshra.s32 s17, $0x2;
	s17 =	sadd.s32 $0x40, s17;
	[tilespmem:v7+s3+$0x0] =	vst.idx.add.f32.msk vm4, v6  }
0x5d: {  	v7 =	vld [tilespmem:s18+$0x1F700];
	_ =	sdelay $0x4  }
0x5e: {  	v7 =	vsub.s32 v7, v3  }
0x5f: {  	v8 =	vld [tilespmem:s18+$0x1F000];
	vm4 =	vgt.s32 v7, $0x0  }
0x60: {  	v9 =	vnsel vm4, $0x0, v7  }
0x61: {  	v9 =	vmin.u32 v9, $0x3E  }
0x62: {  	v9 =	vmul.u32 $0x7D0, v9  }
0x63: {  	s16 =	sadd.s32 $0x1, s16;
	vm4 =	vlt.u32 v7, $0x3F  }
0x64: {  	p0 =	sne.s32 s16, $0x28;
	v7 =	vadd.s32 v8, v9  }
.Ltmp3:
0x65: {  	_ = 	snop;
	(pc) =	sbr.rel @p0 .LBB2_4-.Ltmp3, $2  }
0x66: {  	_ =	sdelay $0x2  }
0x67: {  	[tilespmem:v7+s3+$0x0] =	vst.idx.add.f32.msk vm4, v6  }
0x68: {  	s14 =	sadd.s32 $0x1, s14  }
0x69: {  	p0 =	sne.s32 s14, s6  }
.Ltmp4:
0x6a: {  	_ = 	snop;
	(pc) =	sbr.rel @p0 .LBB2_1-.Ltmp4, $4  }
0x6b: {  	[hbm4b:s5+s3] =	stream.linear.scatter [tilespmem:s3], [sflag:$0x1], $0x1EC30, $0x38;
	[tilespmem:$0x1FA80] =	vst v63  }
0x6c: {  	_ =	swait.ge [sflag:s13], $0x1EC30  }
0x6d: {  	[sflag:s13] =	ssyncset.done $0x0  }
0x6e: {  	[sflag:s13] =	ssyncadd.s32 $0xFFFE13D0  }
0x6f: {  	_ =	sfence.sel $0x180000  }
0x70: {  	[bflag:$0x0] =	sbarrier.arrive $0xFFFF  }
0x71: {  	p0 =	sne.s32 s0, $0x0;
	_ =	strace $0x90000047  }
0x72: {  	s0 =	sadd.s32 @!p0 $0x100000, s2;
	[bflag:$0x2] =	sbarrier.arrive $0xFFFF  }
0x73: {  	[sflag:s0] =	ssyncadd.tile.s32 @!p0 $0x1;
	_ =	shalt  }
.Lfunc_end2:
_tile_overlayer_lowered:
.L_overlay_start_2:
0x74: {  	(tag) =	ssettag $0x2  }
0x75: {  	s0 =	rddreg [dreg:$0x0];
	s2 =	stileid.u32  }
0x76: {  	s1 =	rddreg [dreg:$0x1];
	p0 =	sne.s32 s2, $0x0  }
0x77: {  	s3 =	rddreg [dreg:$0x2];
	[bflag:$0x3] =	sbarrier.arrive $0xFFFF;
	s2 =	simm.s32 @!p0 $0x1C04  }
0x78: {  	[timem:s3], [sflag:s2] =	dma.local @!p0 [hbm:s0], s1  }
0x79: {  	s0 =	simm.s32 @!p0 $0x4  }
0x7a: {  	_ =	swait.ge @!p0 [sflag:s0], s1  }
0x7b: {  	s1 =	ssub.s32 @!p0 $0x0, s1;
	[sflag:s0] =	ssyncset.done @!p0 $0x0  }
0x7c: {  	[sflag:s0] =	ssyncadd.s32 @!p0 s1  }
0x7d: {  	[bflag:$0x3] =	sbarrier.arrive $0xFFFF  }
0x7e: {  	_ =	shalt  }

</sc_bundles>
